<compile_context>
chip_gen: v7x
topology: tpu7x:2x2x1
jax: 0.10.2.dev20260603
libtpu: 0.0.44.dev20260713+nightly
codegen_flags: <defaults>
</compile_context>

<pallas_src>
import functools

import jax
import jax.numpy as jnp
from jax import lax
from jax.experimental import pallas as pl
from jax.experimental.pallas import tpu as pltpu
from jax.experimental.pallas import tpu_sc as plsc

Q = 65536
D = 128
B = 1024
NW = 32
SH = Q - B
SPW = SH // NW
CH = 336
NCH = SPW // CH
SGL = (2 * B) // NW

_mesh = plsc.VectorSubcoreMesh(core_axis_name="c", subcore_axis_name="s")


@functools.partial(
    pl.kernel,
    mesh=_mesh,
    out_type=(
        jax.ShapeDtypeStruct((Q, D), jnp.float32),
        jax.ShapeDtypeStruct((Q, D), jnp.float32),
    ),
    scratch_types=[
        pltpu.VMEM((CH, D), jnp.float32),
        pltpu.VMEM((CH, D), jnp.float32),
        pltpu.VMEM((SGL, D), jnp.float32),
        pltpu.SemaphoreType.DMA,
        pltpu.SemaphoreType.DMA,
        pltpu.SemaphoreType.DMA,
        pltpu.SemaphoreType.DMA,
        pltpu.SemaphoreType.DMA,
    ],
)
def _fifo_shift(new_hbm, keys_hbm, old_hbm, upd_hbm,
                b0, b1, sb, sr0, sr1, sw0, sw1, ss):
    wid = lax.axis_index("s") * 2 + lax.axis_index("c")
    base = wid * SPW
    bufs = (b0, b1)
    srs = (sr0, sr1)
    sws = (sw0, sw1)
    half = NW // 2

    @pl.when(wid < half)
    def _():
        pltpu.async_copy(keys_hbm.at[pl.ds(SH + wid * SGL, SGL)], sb, ss)

    @pl.when(wid >= half)
    def _():
        pltpu.async_copy(new_hbm.at[pl.ds((wid - half) * SGL, SGL)], sb, ss)

    reads = {0: pltpu.async_copy(keys_hbm.at[pl.ds(base, CH)], bufs[0], srs[0])}
    writes = {}
    for c in range(NCH):
        bsel = c % 2
        reads[c].wait()
        off = base + c * CH
        writes[c] = (
            pltpu.async_copy(bufs[bsel], old_hbm.at[pl.ds(off, CH)], sws[bsel]),
            pltpu.async_copy(bufs[bsel], upd_hbm.at[pl.ds(off + B, CH)], sws[bsel]),
        )
        if c + 1 < NCH:
            nb = (c + 1) % 2
            if c >= 1:
                writes[c - 1][0].wait()
                writes[c - 1][1].wait()
            reads[c + 1] = pltpu.async_copy(
                keys_hbm.at[pl.ds(base + (c + 1) * CH, CH)], bufs[nb], srs[nb])

    pltpu.make_async_copy(keys_hbm.at[pl.ds(0, SGL)], sb, ss).wait()

    @pl.when(wid < half)
    def _():
        pltpu.async_copy(sb, old_hbm.at[pl.ds(SH + wid * SGL, SGL)], ss)

    @pl.when(wid >= half)
    def _():
        pltpu.async_copy(sb, upd_hbm.at[pl.ds((wid - half) * SGL, SGL)], ss)

    writes[NCH - 2][0].wait()
    writes[NCH - 2][1].wait()
    writes[NCH - 1][0].wait()
    writes[NCH - 1][1].wait()
    pltpu.make_async_copy(keys_hbm.at[pl.ds(0, SGL)], sb, ss).wait()


def kernel(new_keys, keys):
    old_keys, updated_keys = _fifo_shift(new_keys, keys)
    return (old_keys, updated_keys)

# --- scband reference (transcript-rebuilt; emitter-appended) ---
"""Pipeline reference for scband-mo-co-queue-31396210934059 (READ-ONLY COPY).

The authoritative reference and input builder live on the scoring server;
editing this copy changes nothing except your own understanding.
"""

import jax, jax.numpy as jnp
import numpy as np

MAX_QUEUE_LENGTH = 65536
BATCH_SIZE = 1024
EMBED_DIM = 128


def setup_inputs(seed: int = 0) -> dict:
    key = jax.random.key(seed)
    k1, k2 = jax.random.split(key)
    # forward input: new projection keys for this iteration
    new_keys = jax.random.normal(k1, (BATCH_SIZE, EMBED_DIM), dtype=jnp.float32)
    # non-trainable state: the queue variable (self.keys), initialized like
    # tf.random_normal_initializer (stddev=0.05)
    keys = jax.random.normal(k2, (MAX_QUEUE_LENGTH, EMBED_DIM), dtype=jnp.float32) * 0.05
    return {"new_keys": new_keys, "keys": keys}


def reference(new_keys, keys):
    # Faithful translation of MoCoQueue.call:
    #   keys_old = self.keys                      (returned value)
    #   cat = tf.concat([new_keys, self.keys], 0)
    #   self.keys.assign(tf.slice(cat, [0,0], [L, D]))   (state update)
    # In functional JAX we return both the layer output (old queue) and the
    # updated queue state produced by the assign.
    old_keys = keys
    cat = jnp.concatenate([new_keys, keys], axis=0)
    updated_keys = jax.lax.slice(cat, (0, 0), (MAX_QUEUE_LENGTH, EMBED_DIM))
    return (old_keys, updated_keys)

if __name__ == "__main__":
    import jax
    _d = setup_inputs()
    print(jax.jit(kernel)(*tuple(_d.values())))

</pallas_src>

<mosaic_0001>
#map = affine_map<(d0, d1) -> (0, 0)>
module attributes {stable_mosaic.version = 14 : i64} {
  func.func @_fifo_shift(%arg0: i32, %arg1: i32, %arg2: memref<1024x128xf32, #tpu.memory_space<hbm>>, %arg3: memref<65536x128xf32, #tpu.memory_space<hbm>>, %arg4: memref<65536x128xf32, #tpu.memory_space<hbm>>, %arg5: memref<65536x128xf32, #tpu.memory_space<hbm>>, %arg6: memref<336x128xf32, #tpu.memory_space<vmem>>, %arg7: memref<336x128xf32, #tpu.memory_space<vmem>>, %arg8: memref<64x128xf32, #tpu.memory_space<vmem>>, %arg9: memref<!tpu.dma_semaphore, #tpu.memory_space<semaphore_mem>>, %arg10: memref<!tpu.dma_semaphore, #tpu.memory_space<semaphore_mem>>, %arg11: memref<!tpu.dma_semaphore, #tpu.memory_space<semaphore_mem>>, %arg12: memref<!tpu.dma_semaphore, #tpu.memory_space<semaphore_mem>>, %arg13: memref<!tpu.dma_semaphore, #tpu.memory_space<semaphore_mem>>) attributes {dimension_semantics = [#tpu.dimension_semantics<core_parallel>, #tpu.dimension_semantics<subcore_parallel>], iteration_bounds = array<i64: 2, 16>, scalar_prefetch = 0 : i64, scratch_operands = 8 : i64, tpu.core_type = #tpu.core_type<sc_vector_subcore>, window_params = [{transform_indices = #map}, {transform_indices = #map}, {transform_indices = #map}, {transform_indices = #map}]} {
    %mul3A = arith.constant 2 : i32
    %mul3A_0 = arith.muli %arg1, %mul3A : i32
    %add3A = arith.addi %mul3A_0, %arg0 : i32
    %mul3A_1 = arith.constant 2016 : i32
    %mul3A_2 = arith.muli %add3A, %mul3A_1 : i32
    %lt3A = arith.constant 16 : i32
    %lt3A_3 = arith.cmpi slt, %add3A, %lt3A : i32
    %convert_element_type3A = arith.extui %lt3A_3 : i1 to i32
    %cond3A = arith.constant 0 : i32
    %cond3A_4 = arith.cmpi ne, %convert_element_type3A, %cond3A : i32
    scf.if %cond3A_4 {
      %mul3A_207 = arith.constant 64 : i32
      %mul3A_208 = arith.muli %add3A, %mul3A_207 : i32
      %add3A_209 = arith.constant 64512 : i32
      %add3A_210 = arith.addi %add3A_209, %mul3A_208 : i32
      %dma_start3A_211 = arith.constant 0 : i32
      %dma_start3A_212 = tpu.memref_slice %arg3[%add3A_210, %dma_start3A_211] : memref<65536x128xf32, #tpu.memory_space<hbm>> -> memref<64x128xf32, #tpu.memory_space<hbm>>
      %dma_start3A_213 = arith.constant 0 : i32
      %dma_start3A_214 = tpu.memref_slice %arg3[%add3A_210, %dma_start3A_213] : memref<65536x128xf32, #tpu.memory_space<hbm>> -> memref<64x128xf32, #tpu.memory_space<hbm>>
      tpu.enqueue_dma source(%dma_start3A_214 : memref<64x128xf32, #tpu.memory_space<hbm>>) target(%arg8 : memref<64x128xf32, #tpu.memory_space<vmem>>) target_semaphore(%arg13 : memref<!tpu.dma_semaphore, #tpu.memory_space<semaphore_mem>>)
    } else {
    }
    %ge3A = arith.constant 16 : i32
    %ge3A_5 = arith.cmpi sge, %add3A, %ge3A : i32
    %convert_element_type3A_6 = arith.extui %ge3A_5 : i1 to i32
    %cond3A_7 = arith.constant 0 : i32
    %cond3A_8 = arith.cmpi ne, %convert_element_type3A_6, %cond3A_7 : i32
    scf.if %cond3A_8 {
      %sub3A = arith.constant 16 : i32
      %sub3A_207 = arith.subi %add3A, %sub3A : i32
      %mul3A_208 = arith.constant 64 : i32
      %mul3A_209 = arith.muli %sub3A_207, %mul3A_208 : i32
      %dma_start3A_210 = arith.constant 0 : i32
      %dma_start3A_211 = tpu.memref_slice %arg2[%mul3A_209, %dma_start3A_210] : memref<1024x128xf32, #tpu.memory_space<hbm>> -> memref<64x128xf32, #tpu.memory_space<hbm>>
      %dma_start3A_212 = arith.constant 0 : i32
      %dma_start3A_213 = tpu.memref_slice %arg2[%mul3A_209, %dma_start3A_212] : memref<1024x128xf32, #tpu.memory_space<hbm>> -> memref<64x128xf32, #tpu.memory_space<hbm>>
      tpu.enqueue_dma source(%dma_start3A_213 : memref<64x128xf32, #tpu.memory_space<hbm>>) target(%arg8 : memref<64x128xf32, #tpu.memory_space<vmem>>) target_semaphore(%arg13 : memref<!tpu.dma_semaphore, #tpu.memory_space<semaphore_mem>>)
    } else {
    }
    %dma_start3A = arith.constant 0 : i32
    %dma_start3A_9 = tpu.memref_slice %arg3[%mul3A_2, %dma_start3A] : memref<65536x128xf32, #tpu.memory_space<hbm>> -> memref<336x128xf32, #tpu.memory_space<hbm>>
    %dma_start3A_10 = arith.constant 0 : i32
    %dma_start3A_11 = tpu.memref_slice %arg3[%mul3A_2, %dma_start3A_10] : memref<65536x128xf32, #tpu.memory_space<hbm>> -> memref<336x128xf32, #tpu.memory_space<hbm>>
    tpu.enqueue_dma source(%dma_start3A_11 : memref<336x128xf32, #tpu.memory_space<hbm>>) target(%arg6 : memref<336x128xf32, #tpu.memory_space<vmem>>) target_semaphore(%arg9 : memref<!tpu.dma_semaphore, #tpu.memory_space<semaphore_mem>>)
    %dma_wait3A = arith.constant 0 : i32
    %dma_wait3A_12 = tpu.memref_slice %arg3[%mul3A_2, %dma_wait3A] : memref<65536x128xf32, #tpu.memory_space<hbm>> -> memref<336x128xf32, #tpu.memory_space<hbm>>
    %dma_wait3A_13 = arith.constant 0 : i32
    %dma_wait3A_14 = tpu.memref_slice %arg3[%mul3A_2, %dma_wait3A_13] : memref<65536x128xf32, #tpu.memory_space<hbm>> -> memref<336x128xf32, #tpu.memory_space<hbm>>
    tpu.wait_dma2 semaphore(%arg9 : memref<!tpu.dma_semaphore, #tpu.memory_space<semaphore_mem>>) src(%dma_wait3A_14 : memref<336x128xf32, #tpu.memory_space<hbm>>) dst(%arg6 : memref<336x128xf32, #tpu.memory_space<vmem>>)
    %add3A_15 = arith.constant 0 : i32
    %add3A_16 = arith.addi %mul3A_2, %add3A_15 : i32
    %dma_start3A_17 = arith.constant 0 : i32
    %dma_start3A_18 = tpu.memref_slice %arg4[%add3A_16, %dma_start3A_17] : memref<65536x128xf32, #tpu.memory_space<hbm>> -> memref<336x128xf32, #tpu.memory_space<hbm>>
    %dma_start3A_19 = arith.constant 0 : i32
    %dma_start3A_20 = tpu.memref_slice %arg4[%add3A_16, %dma_start3A_19] : memref<65536x128xf32, #tpu.memory_space<hbm>> -> memref<336x128xf32, #tpu.memory_space<hbm>>
    tpu.enqueue_dma source(%arg6 : memref<336x128xf32, #tpu.memory_space<vmem>>) target(%dma_start3A_20 : memref<336x128xf32, #tpu.memory_space<hbm>>) target_semaphore(%arg11 : memref<!tpu.dma_semaphore, #tpu.memory_space<semaphore_mem>>)
    %add3A_21 = arith.constant 1024 : i32
    %add3A_22 = arith.addi %add3A_16, %add3A_21 : i32
    %dma_start3A_23 = arith.constant 0 : i32
    %dma_start3A_24 = tpu.memref_slice %arg5[%add3A_22, %dma_start3A_23] : memref<65536x128xf32, #tpu.memory_space<hbm>> -> memref<336x128xf32, #tpu.memory_space<hbm>>
    %dma_start3A_25 = arith.constant 0 : i32
    %dma_start3A_26 = tpu.memref_slice %arg5[%add3A_22, %dma_start3A_25] : memref<65536x128xf32, #tpu.memory_space<hbm>> -> memref<336x128xf32, #tpu.memory_space<hbm>>
    tpu.enqueue_dma source(%arg6 : memref<336x128xf32, #tpu.memory_space<vmem>>) target(%dma_start3A_26 : memref<336x128xf32, #tpu.memory_space<hbm>>) target_semaphore(%arg11 : memref<!tpu.dma_semaphore, #tpu.memory_space<semaphore_mem>>)
    %add3A_27 = arith.constant 336 : i32
    %add3A_28 = arith.addi %mul3A_2, %add3A_27 : i32
    %dma_start3A_29 = arith.constant 0 : i32
    %dma_start3A_30 = tpu.memref_slice %arg3[%add3A_28, %dma_start3A_29] : memref<65536x128xf32, #tpu.memory_space<hbm>> -> memref<336x128xf32, #tpu.memory_space<hbm>>
    %dma_start3A_31 = arith.constant 0 : i32
    %dma_start3A_32 = tpu.memref_slice %arg3[%add3A_28, %dma_start3A_31] : memref<65536x128xf32, #tpu.memory_space<hbm>> -> memref<336x128xf32, #tpu.memory_space<hbm>>
    tpu.enqueue_dma source(%dma_start3A_32 : memref<336x128xf32, #tpu.memory_space<hbm>>) target(%arg7 : memref<336x128xf32, #tpu.memory_space<vmem>>) target_semaphore(%arg10 : memref<!tpu.dma_semaphore, #tpu.memory_space<semaphore_mem>>)
    %dma_wait3A_33 = arith.constant 0 : i32
    %dma_wait3A_34 = tpu.memref_slice %arg3[%add3A_28, %dma_wait3A_33] : memref<65536x128xf32, #tpu.memory_space<hbm>> -> memref<336x128xf32, #tpu.memory_space<hbm>>
    %dma_wait3A_35 = arith.constant 0 : i32
    %dma_wait3A_36 = tpu.memref_slice %arg3[%add3A_28, %dma_wait3A_35] : memref<65536x128xf32, #tpu.memory_space<hbm>> -> memref<336x128xf32, #tpu.memory_space<hbm>>
    tpu.wait_dma2 semaphore(%arg10 : memref<!tpu.dma_semaphore, #tpu.memory_space<semaphore_mem>>) src(%dma_wait3A_36 : memref<336x128xf32, #tpu.memory_space<hbm>>) dst(%arg7 : memref<336x128xf32, #tpu.memory_space<vmem>>)
    %add3A_37 = arith.constant 336 : i32
    %add3A_38 = arith.addi %mul3A_2, %add3A_37 : i32
    %dma_start3A_39 = arith.constant 0 : i32
    %dma_start3A_40 = tpu.memref_slice %arg4[%add3A_38, %dma_start3A_39] : memref<65536x128xf32, #tpu.memory_space<hbm>> -> memref<336x128xf32, #tpu.memory_space<hbm>>
    %dma_start3A_41 = arith.constant 0 : i32
    %dma_start3A_42 = tpu.memref_slice %arg4[%add3A_38, %dma_start3A_41] : memref<65536x128xf32, #tpu.memory_space<hbm>> -> memref<336x128xf32, #tpu.memory_space<hbm>>
    tpu.enqueue_dma source(%arg7 : memref<336x128xf32, #tpu.memory_space<vmem>>) target(%dma_start3A_42 : memref<336x128xf32, #tpu.memory_space<hbm>>) target_semaphore(%arg12 : memref<!tpu.dma_semaphore, #tpu.memory_space<semaphore_mem>>)
    %add3A_43 = arith.constant 1024 : i32
    %add3A_44 = arith.addi %add3A_38, %add3A_43 : i32
    %dma_start3A_45 = arith.constant 0 : i32
    %dma_start3A_46 = tpu.memref_slice %arg5[%add3A_44, %dma_start3A_45] : memref<65536x128xf32, #tpu.memory_space<hbm>> -> memref<336x128xf32, #tpu.memory_space<hbm>>
    %dma_start3A_47 = arith.constant 0 : i32
    %dma_start3A_48 = tpu.memref_slice %arg5[%add3A_44, %dma_start3A_47] : memref<65536x128xf32, #tpu.memory_space<hbm>> -> memref<336x128xf32, #tpu.memory_space<hbm>>
    tpu.enqueue_dma source(%arg7 : memref<336x128xf32, #tpu.memory_space<vmem>>) target(%dma_start3A_48 : memref<336x128xf32, #tpu.memory_space<hbm>>) target_semaphore(%arg12 : memref<!tpu.dma_semaphore, #tpu.memory_space<semaphore_mem>>)
    %dma_wait3A_49 = arith.constant 0 : i32
    %dma_wait3A_50 = tpu.memref_slice %arg4[%add3A_16, %dma_wait3A_49] : memref<65536x128xf32, #tpu.memory_space<hbm>> -> memref<336x128xf32, #tpu.memory_space<hbm>>
    %dma_wait3A_51 = arith.constant 0 : i32
    %dma_wait3A_52 = tpu.memref_slice %arg4[%add3A_16, %dma_wait3A_51] : memref<65536x128xf32, #tpu.memory_space<hbm>> -> memref<336x128xf32, #tpu.memory_space<hbm>>
    tpu.wait_dma2 semaphore(%arg11 : memref<!tpu.dma_semaphore, #tpu.memory_space<semaphore_mem>>) src(%arg6 : memref<336x128xf32, #tpu.memory_space<vmem>>) dst(%dma_wait3A_52 : memref<336x128xf32, #tpu.memory_space<hbm>>)
    %dma_wait3A_53 = arith.constant 0 : i32
    %dma_wait3A_54 = tpu.memref_slice %arg5[%add3A_22, %dma_wait3A_53] : memref<65536x128xf32, #tpu.memory_space<hbm>> -> memref<336x128xf32, #tpu.memory_space<hbm>>
    %dma_wait3A_55 = arith.constant 0 : i32
    %dma_wait3A_56 = tpu.memref_slice %arg5[%add3A_22, %dma_wait3A_55] : memref<65536x128xf32, #tpu.memory_space<hbm>> -> memref<336x128xf32, #tpu.memory_space<hbm>>
    tpu.wait_dma2 semaphore(%arg11 : memref<!tpu.dma_semaphore, #tpu.memory_space<semaphore_mem>>) src(%arg6 : memref<336x128xf32, #tpu.memory_space<vmem>>) dst(%dma_wait3A_56 : memref<336x128xf32, #tpu.memory_space<hbm>>)
    %add3A_57 = arith.constant 672 : i32
    %add3A_58 = arith.addi %mul3A_2, %add3A_57 : i32
    %dma_start3A_59 = arith.constant 0 : i32
    %dma_start3A_60 = tpu.memref_slice %arg3[%add3A_58, %dma_start3A_59] : memref<65536x128xf32, #tpu.memory_space<hbm>> -> memref<336x128xf32, #tpu.memory_space<hbm>>
    %dma_start3A_61 = arith.constant 0 : i32
    %dma_start3A_62 = tpu.memref_slice %arg3[%add3A_58, %dma_start3A_61] : memref<65536x128xf32, #tpu.memory_space<hbm>> -> memref<336x128xf32, #tpu.memory_space<hbm>>
    tpu.enqueue_dma source(%dma_start3A_62 : memref<336x128xf32, #tpu.memory_space<hbm>>) target(%arg6 : memref<336x128xf32, #tpu.memory_space<vmem>>) target_semaphore(%arg9 : memref<!tpu.dma_semaphore, #tpu.memory_space<semaphore_mem>>)
    %dma_wait3A_63 = arith.constant 0 : i32
    %dma_wait3A_64 = tpu.memref_slice %arg3[%add3A_58, %dma_wait3A_63] : memref<65536x128xf32, #tpu.memory_space<hbm>> -> memref<336x128xf32, #tpu.memory_space<hbm>>
    %dma_wait3A_65 = arith.constant 0 : i32
    %dma_wait3A_66 = tpu.memref_slice %arg3[%add3A_58, %dma_wait3A_65] : memref<65536x128xf32, #tpu.memory_space<hbm>> -> memref<336x128xf32, #tpu.memory_space<hbm>>
    tpu.wait_dma2 semaphore(%arg9 : memref<!tpu.dma_semaphore, #tpu.memory_space<semaphore_mem>>) src(%dma_wait3A_66 : memref<336x128xf32, #tpu.memory_space<hbm>>) dst(%arg6 : memref<336x128xf32, #tpu.memory_space<vmem>>)
    %add3A_67 = arith.constant 672 : i32
    %add3A_68 = arith.addi %mul3A_2, %add3A_67 : i32
    %dma_start3A_69 = arith.constant 0 : i32
    %dma_start3A_70 = tpu.memref_slice %arg4[%add3A_68, %dma_start3A_69] : memref<65536x128xf32, #tpu.memory_space<hbm>> -> memref<336x128xf32, #tpu.memory_space<hbm>>
    %dma_start3A_71 = arith.constant 0 : i32
    %dma_start3A_72 = tpu.memref_slice %arg4[%add3A_68, %dma_start3A_71] : memref<65536x128xf32, #tpu.memory_space<hbm>> -> memref<336x128xf32, #tpu.memory_space<hbm>>
    tpu.enqueue_dma source(%arg6 : memref<336x128xf32, #tpu.memory_space<vmem>>) target(%dma_start3A_72 : memref<336x128xf32, #tpu.memory_space<hbm>>) target_semaphore(%arg11 : memref<!tpu.dma_semaphore, #tpu.memory_space<semaphore_mem>>)
    %add3A_73 = arith.constant 1024 : i32
    %add3A_74 = arith.addi %add3A_68, %add3A_73 : i32
    %dma_start3A_75 = arith.constant 0 : i32
    %dma_start3A_76 = tpu.memref_slice %arg5[%add3A_74, %dma_start3A_75] : memref<65536x128xf32, #tpu.memory_space<hbm>> -> memref<336x128xf32, #tpu.memory_space<hbm>>
    %dma_start3A_77 = arith.constant 0 : i32
    %dma_start3A_78 = tpu.memref_slice %arg5[%add3A_74, %dma_start3A_77] : memref<65536x128xf32, #tpu.memory_space<hbm>> -> memref<336x128xf32, #tpu.memory_space<hbm>>
    tpu.enqueue_dma source(%arg6 : memref<336x128xf32, #tpu.memory_space<vmem>>) target(%dma_start3A_78 : memref<336x128xf32, #tpu.memory_space<hbm>>) target_semaphore(%arg11 : memref<!tpu.dma_semaphore, #tpu.memory_space<semaphore_mem>>)
    %dma_wait3A_79 = arith.constant 0 : i32
    %dma_wait3A_80 = tpu.memref_slice %arg4[%add3A_38, %dma_wait3A_79] : memref<65536x128xf32, #tpu.memory_space<hbm>> -> memref<336x128xf32, #tpu.memory_space<hbm>>
    %dma_wait3A_81 = arith.constant 0 : i32
    %dma_wait3A_82 = tpu.memref_slice %arg4[%add3A_38, %dma_wait3A_81] : memref<65536x128xf32, #tpu.memory_space<hbm>> -> memref<336x128xf32, #tpu.memory_space<hbm>>
    tpu.wait_dma2 semaphore(%arg12 : memref<!tpu.dma_semaphore, #tpu.memory_space<semaphore_mem>>) src(%arg7 : memref<336x128xf32, #tpu.memory_space<vmem>>) dst(%dma_wait3A_82 : memref<336x128xf32, #tpu.memory_space<hbm>>)
    %dma_wait3A_83 = arith.constant 0 : i32
    %dma_wait3A_84 = tpu.memref_slice %arg5[%add3A_44, %dma_wait3A_83] : memref<65536x128xf32, #tpu.memory_space<hbm>> -> memref<336x128xf32, #tpu.memory_space<hbm>>
    %dma_wait3A_85 = arith.constant 0 : i32
    %dma_wait3A_86 = tpu.memref_slice %arg5[%add3A_44, %dma_wait3A_85] : memref<65536x128xf32, #tpu.memory_space<hbm>> -> memref<336x128xf32, #tpu.memory_space<hbm>>
    tpu.wait_dma2 semaphore(%arg12 : memref<!tpu.dma_semaphore, #tpu.memory_space<semaphore_mem>>) src(%arg7 : memref<336x128xf32, #tpu.memory_space<vmem>>) dst(%dma_wait3A_86 : memref<336x128xf32, #tpu.memory_space<hbm>>)
    %add3A_87 = arith.constant 1008 : i32
    %add3A_88 = arith.addi %mul3A_2, %add3A_87 : i32
    %dma_start3A_89 = arith.constant 0 : i32
    %dma_start3A_90 = tpu.memref_slice %arg3[%add3A_88, %dma_start3A_89] : memref<65536x128xf32, #tpu.memory_space<hbm>> -> memref<336x128xf32, #tpu.memory_space<hbm>>
    %dma_start3A_91 = arith.constant 0 : i32
    %dma_start3A_92 = tpu.memref_slice %arg3[%add3A_88, %dma_start3A_91] : memref<65536x128xf32, #tpu.memory_space<hbm>> -> memref<336x128xf32, #tpu.memory_space<hbm>>
    tpu.enqueue_dma source(%dma_start3A_92 : memref<336x128xf32, #tpu.memory_space<hbm>>) target(%arg7 : memref<336x128xf32, #tpu.memory_space<vmem>>) target_semaphore(%arg10 : memref<!tpu.dma_semaphore, #tpu.memory_space<semaphore_mem>>)
    %dma_wait3A_93 = arith.constant 0 : i32
    %dma_wait3A_94 = tpu.memref_slice %arg3[%add3A_88, %dma_wait3A_93] : memref<65536x128xf32, #tpu.memory_space<hbm>> -> memref<336x128xf32, #tpu.memory_space<hbm>>
    %dma_wait3A_95 = arith.constant 0 : i32
    %dma_wait3A_96 = tpu.memref_slice %arg3[%add3A_88, %dma_wait3A_95] : memref<65536x128xf32, #tpu.memory_space<hbm>> -> memref<336x128xf32, #tpu.memory_space<hbm>>
    tpu.wait_dma2 semaphore(%arg10 : memref<!tpu.dma_semaphore, #tpu.memory_space<semaphore_mem>>) src(%dma_wait3A_96 : memref<336x128xf32, #tpu.memory_space<hbm>>) dst(%arg7 : memref<336x128xf32, #tpu.memory_space<vmem>>)
    %add3A_97 = arith.constant 1008 : i32
    %add3A_98 = arith.addi %mul3A_2, %add3A_97 : i32
    %dma_start3A_99 = arith.constant 0 : i32
    %dma_start3A_100 = tpu.memref_slice %arg4[%add3A_98, %dma_start3A_99] : memref<65536x128xf32, #tpu.memory_space<hbm>> -> memref<336x128xf32, #tpu.memory_space<hbm>>
    %dma_start3A_101 = arith.constant 0 : i32
    %dma_start3A_102 = tpu.memref_slice %arg4[%add3A_98, %dma_start3A_101] : memref<65536x128xf32, #tpu.memory_space<hbm>> -> memref<336x128xf32, #tpu.memory_space<hbm>>
    tpu.enqueue_dma source(%arg7 : memref<336x128xf32, #tpu.memory_space<vmem>>) target(%dma_start3A_102 : memref<336x128xf32, #tpu.memory_space<hbm>>) target_semaphore(%arg12 : memref<!tpu.dma_semaphore, #tpu.memory_space<semaphore_mem>>)
    %add3A_103 = arith.constant 1024 : i32
    %add3A_104 = arith.addi %add3A_98, %add3A_103 : i32
    %dma_start3A_105 = arith.constant 0 : i32
    %dma_start3A_106 = tpu.memref_slice %arg5[%add3A_104, %dma_start3A_105] : memref<65536x128xf32, #tpu.memory_space<hbm>> -> memref<336x128xf32, #tpu.memory_space<hbm>>
    %dma_start3A_107 = arith.constant 0 : i32
    %dma_start3A_108 = tpu.memref_slice %arg5[%add3A_104, %dma_start3A_107] : memref<65536x128xf32, #tpu.memory_space<hbm>> -> memref<336x128xf32, #tpu.memory_space<hbm>>
    tpu.enqueue_dma source(%arg7 : memref<336x128xf32, #tpu.memory_space<vmem>>) target(%dma_start3A_108 : memref<336x128xf32, #tpu.memory_space<hbm>>) target_semaphore(%arg12 : memref<!tpu.dma_semaphore, #tpu.memory_space<semaphore_mem>>)
    %dma_wait3A_109 = arith.constant 0 : i32
    %dma_wait3A_110 = tpu.memref_slice %arg4[%add3A_68, %dma_wait3A_109] : memref<65536x128xf32, #tpu.memory_space<hbm>> -> memref<336x128xf32, #tpu.memory_space<hbm>>
    %dma_wait3A_111 = arith.constant 0 : i32
    %dma_wait3A_112 = tpu.memref_slice %arg4[%add3A_68, %dma_wait3A_111] : memref<65536x128xf32, #tpu.memory_space<hbm>> -> memref<336x128xf32, #tpu.memory_space<hbm>>
    tpu.wait_dma2 semaphore(%arg11 : memref<!tpu.dma_semaphore, #tpu.memory_space<semaphore_mem>>) src(%arg6 : memref<336x128xf32, #tpu.memory_space<vmem>>) dst(%dma_wait3A_112 : memref<336x128xf32, #tpu.memory_space<hbm>>)
    %dma_wait3A_113 = arith.constant 0 : i32
    %dma_wait3A_114 = tpu.memref_slice %arg5[%add3A_74, %dma_wait3A_113] : memref<65536x128xf32, #tpu.memory_space<hbm>> -> memref<336x128xf32, #tpu.memory_space<hbm>>
    %dma_wait3A_115 = arith.constant 0 : i32
    %dma_wait3A_116 = tpu.memref_slice %arg5[%add3A_74, %dma_wait3A_115] : memref<65536x128xf32, #tpu.memory_space<hbm>> -> memref<336x128xf32, #tpu.memory_space<hbm>>
    tpu.wait_dma2 semaphore(%arg11 : memref<!tpu.dma_semaphore, #tpu.memory_space<semaphore_mem>>) src(%arg6 : memref<336x128xf32, #tpu.memory_space<vmem>>) dst(%dma_wait3A_116 : memref<336x128xf32, #tpu.memory_space<hbm>>)
    %add3A_117 = arith.constant 1344 : i32
    %add3A_118 = arith.addi %mul3A_2, %add3A_117 : i32
    %dma_start3A_119 = arith.constant 0 : i32
    %dma_start3A_120 = tpu.memref_slice %arg3[%add3A_118, %dma_start3A_119] : memref<65536x128xf32, #tpu.memory_space<hbm>> -> memref<336x128xf32, #tpu.memory_space<hbm>>
    %dma_start3A_121 = arith.constant 0 : i32
    %dma_start3A_122 = tpu.memref_slice %arg3[%add3A_118, %dma_start3A_121] : memref<65536x128xf32, #tpu.memory_space<hbm>> -> memref<336x128xf32, #tpu.memory_space<hbm>>
    tpu.enqueue_dma source(%dma_start3A_122 : memref<336x128xf32, #tpu.memory_space<hbm>>) target(%arg6 : memref<336x128xf32, #tpu.memory_space<vmem>>) target_semaphore(%arg9 : memref<!tpu.dma_semaphore, #tpu.memory_space<semaphore_mem>>)
    %dma_wait3A_123 = arith.constant 0 : i32
    %dma_wait3A_124 = tpu.memref_slice %arg3[%add3A_118, %dma_wait3A_123] : memref<65536x128xf32, #tpu.memory_space<hbm>> -> memref<336x128xf32, #tpu.memory_space<hbm>>
    %dma_wait3A_125 = arith.constant 0 : i32
    %dma_wait3A_126 = tpu.memref_slice %arg3[%add3A_118, %dma_wait3A_125] : memref<65536x128xf32, #tpu.memory_space<hbm>> -> memref<336x128xf32, #tpu.memory_space<hbm>>
    tpu.wait_dma2 semaphore(%arg9 : memref<!tpu.dma_semaphore, #tpu.memory_space<semaphore_mem>>) src(%dma_wait3A_126 : memref<336x128xf32, #tpu.memory_space<hbm>>) dst(%arg6 : memref<336x128xf32, #tpu.memory_space<vmem>>)
    %add3A_127 = arith.constant 1344 : i32
    %add3A_128 = arith.addi %mul3A_2, %add3A_127 : i32
    %dma_start3A_129 = arith.constant 0 : i32
    %dma_start3A_130 = tpu.memref_slice %arg4[%add3A_128, %dma_start3A_129] : memref<65536x128xf32, #tpu.memory_space<hbm>> -> memref<336x128xf32, #tpu.memory_space<hbm>>
    %dma_start3A_131 = arith.constant 0 : i32
    %dma_start3A_132 = tpu.memref_slice %arg4[%add3A_128, %dma_start3A_131] : memref<65536x128xf32, #tpu.memory_space<hbm>> -> memref<336x128xf32, #tpu.memory_space<hbm>>
    tpu.enqueue_dma source(%arg6 : memref<336x128xf32, #tpu.memory_space<vmem>>) target(%dma_start3A_132 : memref<336x128xf32, #tpu.memory_space<hbm>>) target_semaphore(%arg11 : memref<!tpu.dma_semaphore, #tpu.memory_space<semaphore_mem>>)
    %add3A_133 = arith.constant 1024 : i32
    %add3A_134 = arith.addi %add3A_128, %add3A_133 : i32
    %dma_start3A_135 = arith.constant 0 : i32
    %dma_start3A_136 = tpu.memref_slice %arg5[%add3A_134, %dma_start3A_135] : memref<65536x128xf32, #tpu.memory_space<hbm>> -> memref<336x128xf32, #tpu.memory_space<hbm>>
    %dma_start3A_137 = arith.constant 0 : i32
    %dma_start3A_138 = tpu.memref_slice %arg5[%add3A_134, %dma_start3A_137] : memref<65536x128xf32, #tpu.memory_space<hbm>> -> memref<336x128xf32, #tpu.memory_space<hbm>>
    tpu.enqueue_dma source(%arg6 : memref<336x128xf32, #tpu.memory_space<vmem>>) target(%dma_start3A_138 : memref<336x128xf32, #tpu.memory_space<hbm>>) target_semaphore(%arg11 : memref<!tpu.dma_semaphore, #tpu.memory_space<semaphore_mem>>)
    %dma_wait3A_139 = arith.constant 0 : i32
    %dma_wait3A_140 = tpu.memref_slice %arg4[%add3A_98, %dma_wait3A_139] : memref<65536x128xf32, #tpu.memory_space<hbm>> -> memref<336x128xf32, #tpu.memory_space<hbm>>
    %dma_wait3A_141 = arith.constant 0 : i32
    %dma_wait3A_142 = tpu.memref_slice %arg4[%add3A_98, %dma_wait3A_141] : memref<65536x128xf32, #tpu.memory_space<hbm>> -> memref<336x128xf32, #tpu.memory_space<hbm>>
    tpu.wait_dma2 semaphore(%arg12 : memref<!tpu.dma_semaphore, #tpu.memory_space<semaphore_mem>>) src(%arg7 : memref<336x128xf32, #tpu.memory_space<vmem>>) dst(%dma_wait3A_142 : memref<336x128xf32, #tpu.memory_space<hbm>>)
    %dma_wait3A_143 = arith.constant 0 : i32
    %dma_wait3A_144 = tpu.memref_slice %arg5[%add3A_104, %dma_wait3A_143] : memref<65536x128xf32, #tpu.memory_space<hbm>> -> memref<336x128xf32, #tpu.memory_space<hbm>>
    %dma_wait3A_145 = arith.constant 0 : i32
    %dma_wait3A_146 = tpu.memref_slice %arg5[%add3A_104, %dma_wait3A_145] : memref<65536x128xf32, #tpu.memory_space<hbm>> -> memref<336x128xf32, #tpu.memory_space<hbm>>
    tpu.wait_dma2 semaphore(%arg12 : memref<!tpu.dma_semaphore, #tpu.memory_space<semaphore_mem>>) src(%arg7 : memref<336x128xf32, #tpu.memory_space<vmem>>) dst(%dma_wait3A_146 : memref<336x128xf32, #tpu.memory_space<hbm>>)
    %add3A_147 = arith.constant 1680 : i32
    %add3A_148 = arith.addi %mul3A_2, %add3A_147 : i32
    %dma_start3A_149 = arith.constant 0 : i32
    %dma_start3A_150 = tpu.memref_slice %arg3[%add3A_148, %dma_start3A_149] : memref<65536x128xf32, #tpu.memory_space<hbm>> -> memref<336x128xf32, #tpu.memory_space<hbm>>
    %dma_start3A_151 = arith.constant 0 : i32
    %dma_start3A_152 = tpu.memref_slice %arg3[%add3A_148, %dma_start3A_151] : memref<65536x128xf32, #tpu.memory_space<hbm>> -> memref<336x128xf32, #tpu.memory_space<hbm>>
    tpu.enqueue_dma source(%dma_start3A_152 : memref<336x128xf32, #tpu.memory_space<hbm>>) target(%arg7 : memref<336x128xf32, #tpu.memory_space<vmem>>) target_semaphore(%arg10 : memref<!tpu.dma_semaphore, #tpu.memory_space<semaphore_mem>>)
    %dma_wait3A_153 = arith.constant 0 : i32
    %dma_wait3A_154 = tpu.memref_slice %arg3[%add3A_148, %dma_wait3A_153] : memref<65536x128xf32, #tpu.memory_space<hbm>> -> memref<336x128xf32, #tpu.memory_space<hbm>>
    %dma_wait3A_155 = arith.constant 0 : i32
    %dma_wait3A_156 = tpu.memref_slice %arg3[%add3A_148, %dma_wait3A_155] : memref<65536x128xf32, #tpu.memory_space<hbm>> -> memref<336x128xf32, #tpu.memory_space<hbm>>
    tpu.wait_dma2 semaphore(%arg10 : memref<!tpu.dma_semaphore, #tpu.memory_space<semaphore_mem>>) src(%dma_wait3A_156 : memref<336x128xf32, #tpu.memory_space<hbm>>) dst(%arg7 : memref<336x128xf32, #tpu.memory_space<vmem>>)
    %add3A_157 = arith.constant 1680 : i32
    %add3A_158 = arith.addi %mul3A_2, %add3A_157 : i32
    %dma_start3A_159 = arith.constant 0 : i32
    %dma_start3A_160 = tpu.memref_slice %arg4[%add3A_158, %dma_start3A_159] : memref<65536x128xf32, #tpu.memory_space<hbm>> -> memref<336x128xf32, #tpu.memory_space<hbm>>
    %dma_start3A_161 = arith.constant 0 : i32
    %dma_start3A_162 = tpu.memref_slice %arg4[%add3A_158, %dma_start3A_161] : memref<65536x128xf32, #tpu.memory_space<hbm>> -> memref<336x128xf32, #tpu.memory_space<hbm>>
    tpu.enqueue_dma source(%arg7 : memref<336x128xf32, #tpu.memory_space<vmem>>) target(%dma_start3A_162 : memref<336x128xf32, #tpu.memory_space<hbm>>) target_semaphore(%arg12 : memref<!tpu.dma_semaphore, #tpu.memory_space<semaphore_mem>>)
    %add3A_163 = arith.constant 1024 : i32
    %add3A_164 = arith.addi %add3A_158, %add3A_163 : i32
    %dma_start3A_165 = arith.constant 0 : i32
    %dma_start3A_166 = tpu.memref_slice %arg5[%add3A_164, %dma_start3A_165] : memref<65536x128xf32, #tpu.memory_space<hbm>> -> memref<336x128xf32, #tpu.memory_space<hbm>>
    %dma_start3A_167 = arith.constant 0 : i32
    %dma_start3A_168 = tpu.memref_slice %arg5[%add3A_164, %dma_start3A_167] : memref<65536x128xf32, #tpu.memory_space<hbm>> -> memref<336x128xf32, #tpu.memory_space<hbm>>
    tpu.enqueue_dma source(%arg7 : memref<336x128xf32, #tpu.memory_space<vmem>>) target(%dma_start3A_168 : memref<336x128xf32, #tpu.memory_space<hbm>>) target_semaphore(%arg12 : memref<!tpu.dma_semaphore, #tpu.memory_space<semaphore_mem>>)
    %dma_wait3A_169 = arith.constant 0 : i32
    %dma_wait3A_170 = arith.constant 0 : i32
    %dma_wait3A_171 = tpu.memref_slice %arg3[%dma_wait3A_169, %dma_wait3A_170] : memref<65536x128xf32, #tpu.memory_space<hbm>> -> memref<64x128xf32, #tpu.memory_space<hbm>>
    %dma_wait3A_172 = arith.constant 0 : i32
    %dma_wait3A_173 = arith.constant 0 : i32
    %dma_wait3A_174 = tpu.memref_slice %arg3[%dma_wait3A_172, %dma_wait3A_173] : memref<65536x128xf32, #tpu.memory_space<hbm>> -> memref<64x128xf32, #tpu.memory_space<hbm>>
    tpu.wait_dma2 semaphore(%arg13 : memref<!tpu.dma_semaphore, #tpu.memory_space<semaphore_mem>>) src(%dma_wait3A_174 : memref<64x128xf32, #tpu.memory_space<hbm>>) dst(%arg8 : memref<64x128xf32, #tpu.memory_space<vmem>>)
    %lt3A_175 = arith.constant 16 : i32
    %lt3A_176 = arith.cmpi slt, %add3A, %lt3A_175 : i32
    %convert_element_type3A_177 = arith.extui %lt3A_176 : i1 to i32
    %cond3A_178 = arith.constant 0 : i32
    %cond3A_179 = arith.cmpi ne, %convert_element_type3A_177, %cond3A_178 : i32
    scf.if %cond3A_179 {
      %mul3A_207 = arith.constant 64 : i32
      %mul3A_208 = arith.muli %add3A, %mul3A_207 : i32
      %add3A_209 = arith.constant 64512 : i32
      %add3A_210 = arith.addi %add3A_209, %mul3A_208 : i32
      %dma_start3A_211 = arith.constant 0 : i32
      %dma_start3A_212 = tpu.memref_slice %arg4[%add3A_210, %dma_start3A_211] : memref<65536x128xf32, #tpu.memory_space<hbm>> -> memref<64x128xf32, #tpu.memory_space<hbm>>
      %dma_start3A_213 = arith.constant 0 : i32
      %dma_start3A_214 = tpu.memref_slice %arg4[%add3A_210, %dma_start3A_213] : memref<65536x128xf32, #tpu.memory_space<hbm>> -> memref<64x128xf32, #tpu.memory_space<hbm>>
      tpu.enqueue_dma source(%arg8 : memref<64x128xf32, #tpu.memory_space<vmem>>) target(%dma_start3A_214 : memref<64x128xf32, #tpu.memory_space<hbm>>) target_semaphore(%arg13 : memref<!tpu.dma_semaphore, #tpu.memory_space<semaphore_mem>>)
    } else {
    }
    %ge3A_180 = arith.constant 16 : i32
    %ge3A_181 = arith.cmpi sge, %add3A, %ge3A_180 : i32
    %convert_element_type3A_182 = arith.extui %ge3A_181 : i1 to i32
    %cond3A_183 = arith.constant 0 : i32
    %cond3A_184 = arith.cmpi ne, %convert_element_type3A_182, %cond3A_183 : i32
    scf.if %cond3A_184 {
      %sub3A = arith.constant 16 : i32
      %sub3A_207 = arith.subi %add3A, %sub3A : i32
      %mul3A_208 = arith.constant 64 : i32
      %mul3A_209 = arith.muli %sub3A_207, %mul3A_208 : i32
      %dma_start3A_210 = arith.constant 0 : i32
      %dma_start3A_211 = tpu.memref_slice %arg5[%mul3A_209, %dma_start3A_210] : memref<65536x128xf32, #tpu.memory_space<hbm>> -> memref<64x128xf32, #tpu.memory_space<hbm>>
      %dma_start3A_212 = arith.constant 0 : i32
      %dma_start3A_213 = tpu.memref_slice %arg5[%mul3A_209, %dma_start3A_212] : memref<65536x128xf32, #tpu.memory_space<hbm>> -> memref<64x128xf32, #tpu.memory_space<hbm>>
      tpu.enqueue_dma source(%arg8 : memref<64x128xf32, #tpu.memory_space<vmem>>) target(%dma_start3A_213 : memref<64x128xf32, #tpu.memory_space<hbm>>) target_semaphore(%arg13 : memref<!tpu.dma_semaphore, #tpu.memory_space<semaphore_mem>>)
    } else {
    }
    %dma_wait3A_185 = arith.constant 0 : i32
    %dma_wait3A_186 = tpu.memref_slice %arg4[%add3A_128, %dma_wait3A_185] : memref<65536x128xf32, #tpu.memory_space<hbm>> -> memref<336x128xf32, #tpu.memory_space<hbm>>
    %dma_wait3A_187 = arith.constant 0 : i32
    %dma_wait3A_188 = tpu.memref_slice %arg4[%add3A_128, %dma_wait3A_187] : memref<65536x128xf32, #tpu.memory_space<hbm>> -> memref<336x128xf32, #tpu.memory_space<hbm>>
    tpu.wait_dma2 semaphore(%arg11 : memref<!tpu.dma_semaphore, #tpu.memory_space<semaphore_mem>>) src(%arg6 : memref<336x128xf32, #tpu.memory_space<vmem>>) dst(%dma_wait3A_188 : memref<336x128xf32, #tpu.memory_space<hbm>>)
    %dma_wait3A_189 = arith.constant 0 : i32
    %dma_wait3A_190 = tpu.memref_slice %arg5[%add3A_134, %dma_wait3A_189] : memref<65536x128xf32, #tpu.memory_space<hbm>> -> memref<336x128xf32, #tpu.memory_space<hbm>>
    %dma_wait3A_191 = arith.constant 0 : i32
    %dma_wait3A_192 = tpu.memref_slice %arg5[%add3A_134, %dma_wait3A_191] : memref<65536x128xf32, #tpu.memory_space<hbm>> -> memref<336x128xf32, #tpu.memory_space<hbm>>
    tpu.wait_dma2 semaphore(%arg11 : memref<!tpu.dma_semaphore, #tpu.memory_space<semaphore_mem>>) src(%arg6 : memref<336x128xf32, #tpu.memory_space<vmem>>) dst(%dma_wait3A_192 : memref<336x128xf32, #tpu.memory_space<hbm>>)
    %dma_wait3A_193 = arith.constant 0 : i32
    %dma_wait3A_194 = tpu.memref_slice %arg4[%add3A_158, %dma_wait3A_193] : memref<65536x128xf32, #tpu.memory_space<hbm>> -> memref<336x128xf32, #tpu.memory_space<hbm>>
    %dma_wait3A_195 = arith.constant 0 : i32
    %dma_wait3A_196 = tpu.memref_slice %arg4[%add3A_158, %dma_wait3A_195] : memref<65536x128xf32, #tpu.memory_space<hbm>> -> memref<336x128xf32, #tpu.memory_space<hbm>>
    tpu.wait_dma2 semaphore(%arg12 : memref<!tpu.dma_semaphore, #tpu.memory_space<semaphore_mem>>) src(%arg7 : memref<336x128xf32, #tpu.memory_space<vmem>>) dst(%dma_wait3A_196 : memref<336x128xf32, #tpu.memory_space<hbm>>)
    %dma_wait3A_197 = arith.constant 0 : i32
    %dma_wait3A_198 = tpu.memref_slice %arg5[%add3A_164, %dma_wait3A_197] : memref<65536x128xf32, #tpu.memory_space<hbm>> -> memref<336x128xf32, #tpu.memory_space<hbm>>
    %dma_wait3A_199 = arith.constant 0 : i32
    %dma_wait3A_200 = tpu.memref_slice %arg5[%add3A_164, %dma_wait3A_199] : memref<65536x128xf32, #tpu.memory_space<hbm>> -> memref<336x128xf32, #tpu.memory_space<hbm>>
    tpu.wait_dma2 semaphore(%arg12 : memref<!tpu.dma_semaphore, #tpu.memory_space<semaphore_mem>>) src(%arg7 : memref<336x128xf32, #tpu.memory_space<vmem>>) dst(%dma_wait3A_200 : memref<336x128xf32, #tpu.memory_space<hbm>>)
    %dma_wait3A_201 = arith.constant 0 : i32
    %dma_wait3A_202 = arith.constant 0 : i32
    %dma_wait3A_203 = tpu.memref_slice %arg3[%dma_wait3A_201, %dma_wait3A_202] : memref<65536x128xf32, #tpu.memory_space<hbm>> -> memref<64x128xf32, #tpu.memory_space<hbm>>
    %dma_wait3A_204 = arith.constant 0 : i32
    %dma_wait3A_205 = arith.constant 0 : i32
    %dma_wait3A_206 = tpu.memref_slice %arg3[%dma_wait3A_204, %dma_wait3A_205] : memref<65536x128xf32, #tpu.memory_space<hbm>> -> memref<64x128xf32, #tpu.memory_space<hbm>>
    tpu.wait_dma2 semaphore(%arg13 : memref<!tpu.dma_semaphore, #tpu.memory_space<semaphore_mem>>) src(%dma_wait3A_206 : memref<64x128xf32, #tpu.memory_space<hbm>>) dst(%arg8 : memref<64x128xf32, #tpu.memory_space<vmem>>)
    return
  }
}

</mosaic_0001>

<sc_bundles>
// kernel: kernel.3.cloned.1.call-start
scs
__scs_entry_jumppad:
0x0: {  	(pc) =	sbr.rel $0x88, $3  }
0x1: {  	(tag) =	ssettag $0x0;
	lr =	simm.s32 $0x1  }
0x2: {  	[smem:$0x3F9F] =	sst lr;
	_ =	strace $0xD0000000  }
0x3: {  	_ = 	snop  }
0x4: {  	_ = 	snop  }
0x5: {  	_ = 	snop  }
0x6: {  	_ = 	snop  }
0x7: {  	_ = 	snop  }
__scs_overlays_trampoline_lowered:
0x8: {  	[smem:$0x3FAE] =	sst s0  }
0x9: {  	[smem:$0x3FAF] =	sst s1  }
0xa: {  	[smem:$0x3FB0] =	sst s2  }
0xb: {  	[smem:$0x3FB1] =	sst s3  }
0xc: {  	[smem:$0x3FB2] =	sst s4  }
0xd: {  	[smem:$0x3FB3] =	sst s5  }
0xe: {  	[smem:$0x3FB4] =	sst s6  }
0xf: {  	[smem:$0x3FB5] =	sst s7  }
0x10: {  	[smem:$0x3FB6] =	sst s8  }
0x11: {  	[smem:$0x3FB7] =	sst s9;
	s0 =	simm.s32 @!p0 $0x0  }
0x12: {  	s1 =	sld [smem:$0x3F9D];
	s0 =	simm.s32 @p0 $0x1  }
0x13: {  	[smem:$0x3FB8] =	sst s0;
	s0 =	simm.s32 @!p1 $0x0  }
0x14: {  	s2 =	sld [smem:$0x3F9C];
	s0 =	simm.s32 @p1 $0x1  }
0x15: {  	[smem:$0x3FB9] =	sst s0;
	s0 =	simm.s32 @!p2 $0x0  }
0x16: {  	s3 =	sld [smem:$0x3FDB];
	s0 =	simm.s32 @p2 $0x1  }
0x17: {  	s4 =	simm.s32 $0x1BF5;
	[smem:$0x3FBB] =	sst s0  }
0x18: {  	s0 =	sld [smem:$0x3F9E];
	_ =	swait.ge [sflag:s4], $0x0  }
0x19: {  	s7 =	sld [smem:$0x3F9F]  }
0x1a: {  	s8 =	sadd.s32 $0xFFFFE003, lr  }
0x1b: {  	s9 =	sadd.s32 $0xFFFFFEF7, lr;
	s5 =	simm.s32 $0xFFFFFFFF;
	p2 =	slt.u32 s8, $0xFFFFF086  }
0x1c: {  	p1 =	slt.u32 s9, $0xF7A;
	s5 =	simm.s32 @!p2 $0x0  }
0x1d: {  	s5 =	simm.s32 @p1 $0x1;
	p0 =	seq.s32 s7, s2  }
0x1e: {  	s7 =	smul.u32 @!p0 $0xF7A, s2;
	p2 =	seq.s32 @!p0 s5, $0x0  }
0x1f: {  	s9 =	smul.u32 $0xF7A, s1;
	s8 =	simm.s32 @!p0 $0x1BF5;
	p2 =	por !p2, p0  }
0x20: {  	[sflag:s8] =	ssyncset.s32 @!p0 $0xFFFFF086;
	s6 =	sadd.s32 @!p0 s3, s7;
	s7 =	simm.s32 @!p0 $0x108  }
0x21: {  	s3 =	sadd.s32 s3, s9;
	s6 =	sadd.s32 @!p0 $0x88, s6;
	s7 =	simm.s32 @p2 $0x1082  }
0x22: {  	[simem:s7], [sflag:s8] =	dma.local @!p0 [hbm:s6], $0xF7A  }
0x23: {  	s9 =	sor.u32 $0xD0000000, s2;
	s6 =	simm.s32 $0x108;
	_ =	swait.ge @!p0 [sflag:s8], $0x0  }
0x24: {  	s3 =	sadd.s32 $0x88, s3;
	s6 =	simm.s32 @!p1 $0x1082;
	[sflag:s4] =	ssyncset.s32 $0xFFFFF086  }
0x25: {  	[simem:s6], [sflag:s4] =	dma.local [hbm:s3], $0xF7A  }
0x26: {  	[smem:$0x3F9F] =	sst s1;
	(tag) =	ssettag s2;
	_ =	strace s9  }
0x27: {  	s1 =	sld [smem:$0x3FAF]  }
0x28: {  	s2 =	sld [smem:$0x3FB0]  }
0x29: {  	s4 =	sld [smem:$0x3FB2]  }
0x2a: {  	p0 =	seq.s32 s5, $0x0;
	s5 =	sld [smem:$0x3FB3]  }
0x2b: {  	s6 =	sld [smem:$0x3FB4]  }
0x2c: {  	s7 =	sld [smem:$0x3FB5]  }
0x2d: {  	s3 =	simm.s32 $0x108;
	s8 =	sld [smem:$0x3FB6]  }
0x2e: {  	s3 =	simm.s32 @!p0 $0x1082;
	s9 =	sld [smem:$0x3FB7]  }
0x2f: {  	lr =	sadd.s32 s0, s3;
	s0 =	sld [smem:$0x3FAE]  }
0x30: {  	s3 =	sld [smem:$0x3FB1]  }
0x31: {  	[smem:$0x3FBA] =	sst s10  }
0x32: {  	s10 =	sld [smem:$0x3FB8];
	_ =	sdelay $0x3  }
0x33: {  	p0 =	seq.s32 s10, $0x1;
	s10 =	sld [smem:$0x3FBA];
	_ =	sdelay $0x3  }
0x34: {  	[smem:$0x3FBA] =	sst s10  }
0x35: {  	s10 =	sld [smem:$0x3FB9];
	_ =	sdelay $0x3  }
0x36: {  	p1 =	seq.s32 s10, $0x1;
	s10 =	sld [smem:$0x3FBA];
	_ =	sdelay $0x3  }
0x37: {  	[smem:$0x3FBA] =	sst s10  }
0x38: {  	s10 =	sld [smem:$0x3FBB]  }
0x39: {  	_ = 	snop;
	(pc) =	sbr.ind lr, $3  }
0x3a: {  	_ = 	snop  }
0x3b: {  	_ = 	snop  }
0x3c: {  	p2 =	seq.s32 s10, $0x1;
	s10 =	sld [smem:$0x3FBA]  }
0x3d: {  	_ =	shalt  }
0x3e: {  	_ =	shalt  }
0x3f: {  	_ =	shalt  }
0x40: {  	_ =	shalt  }
0x41: {  	_ =	shalt  }
0x42: {  	_ =	shalt  }
0x43: {  	_ =	shalt  }
0x44: {  	_ =	shalt  }
0x45: {  	_ =	shalt  }
0x46: {  	_ =	shalt  }
0x47: {  	_ =	shalt  }
0x48: {  	_ =	shalt  }
0x49: {  	_ =	shalt  }
0x4a: {  	_ =	shalt  }
0x4b: {  	_ =	shalt  }
0x4c: {  	_ =	shalt  }
0x4d: {  	_ =	shalt  }
0x4e: {  	_ =	shalt  }
0x4f: {  	_ =	shalt  }
0x50: {  	_ =	shalt  }
0x51: {  	_ =	shalt  }
0x52: {  	_ =	shalt  }
0x53: {  	_ =	shalt  }
0x54: {  	_ =	shalt  }
0x55: {  	_ =	shalt  }
0x56: {  	_ =	shalt  }
0x57: {  	_ =	shalt  }
0x58: {  	_ =	shalt  }
0x59: {  	_ =	shalt  }
0x5a: {  	_ =	shalt  }
0x5b: {  	_ =	shalt  }
0x5c: {  	_ =	shalt  }
0x5d: {  	_ =	shalt  }
0x5e: {  	_ =	shalt  }
0x5f: {  	_ =	shalt  }
0x60: {  	_ =	shalt  }
0x61: {  	_ =	shalt  }
0x62: {  	_ =	shalt  }
0x63: {  	_ =	shalt  }
0x64: {  	_ =	shalt  }
0x65: {  	_ =	shalt  }
0x66: {  	_ =	shalt  }
0x67: {  	_ =	shalt  }
0x68: {  	_ =	shalt  }
0x69: {  	_ =	shalt  }
0x6a: {  	_ =	shalt  }
0x6b: {  	_ =	shalt  }
0x6c: {  	_ =	shalt  }
0x6d: {  	_ =	shalt  }
0x6e: {  	_ =	shalt  }
0x6f: {  	_ =	shalt  }
0x70: {  	_ =	shalt  }
0x71: {  	_ =	shalt  }
0x72: {  	_ =	shalt  }
0x73: {  	_ =	shalt  }
0x74: {  	_ =	shalt  }
0x75: {  	_ =	shalt  }
0x76: {  	_ =	shalt  }
0x77: {  	_ =	shalt  }
0x78: {  	_ =	shalt  }
0x79: {  	_ =	shalt  }
0x7a: {  	_ =	shalt  }
0x7b: {  	_ =	shalt  }
0x7c: {  	_ =	shalt  }
0x7d: {  	_ =	shalt  }
0x7e: {  	_ =	shalt  }
0x7f: {  	_ =	shalt  }
0x80: {  	_ =	shalt  }
0x81: {  	_ =	shalt  }
0x82: {  	_ =	shalt  }
0x83: {  	_ =	shalt  }
0x84: {  	_ =	shalt  }
0x85: {  	_ =	shalt  }
0x86: {  	_ =	shalt  }
0x87: {  	_ =	shalt  }
.Lfunc_end0:
.L_simem_size_0:
called_computation_lowered:
.L_overlay_start_0:
0x88: {  	s2 =	sld [smem:$0x3FD9]  }
0x89: {  	s3 =	sld [smem:$0x3FFE];
	_ =	sdelay $0x1  }
0x8a: {  	s1 =	srdreg.scid  }
0x8b: {  	s0 =	sand.u32 $0x1, s1  }
0x8c: {  	s15 =	sshll.u32 s0, $0xA;
	s2 =	sadd.s32 s3, s2  }
0x8d: {  	s2 =	sadd.s32 s2, s15  }
0x8e: {  	[smem:$0x3FC6] =	sst s2  }
0x8f: {  	_ = 	snop  }
0x90: {  	s2 =	sld [smem:$0x3FD0];
	_ =	sdelay $0x1  }
0x91: {  	s16 =	sld [smem:$0x3FC9]  }
0x92: {  	s5 =	simm.s32 $0xA;
	s6 =	simm.s32 $0x10;
	s4 =	sld [smem:$0x3FC8]  }
0x93: {  	[smem:s6], [sflag:s5] =	dma.local [hbm:s2], $0x1  }
0x94: {  	_ =	swait.eq [sflag:s5], $0x1  }
0x95: {  	[sflag:s5] =	ssyncset.done $0x0  }
0x96: {  	s17 =	sld [smem:$0x10];
	[sflag:s5] =	ssyncadd.s32 $0xFFFFFFFF  }
0x97: {  	s18 =	sld [smem:$0x11];
	(tm) =	ssettm $0x1  }
0x98: {  	s19 =	sld [smem:$0x3FFB];
	_ =	sdelay $0x3  }
0x99: {  	_ =	strace s19  }
0x9a: {  	s6 =	sld [smem:$0x3FFC];
	_ =	sdelay $0x3  }
0x9b: {  	_ =	strace s6  }
0x9c: {  	s6 =	sld [smem:$0x3FFD];
	_ =	sdelay $0x3  }
0x9d: {  	_ =	strace s6  }
0x9e: {  	_ =	strace $0x8FFFFFFF  }
0x9f: {  	s20 =	sld [smem:$0x3FDB];
	_ =	sdelay $0x1  }
0xa0: {  	s7 =	simm.s32 $_scs_section_size  }
0xa1: {  	s8 =	simm.s32 $_size__tile_overlayer_lowered;
	s9 =	simm.s32 $_tile_overlayer_lowered  }
0xa2: {  	s23 =	simm.s32 $0x1BFF;
	s22 =	sshll.u32 s9, $0x1;
	s6 =	sadd.s32 s7, s20  }
0xa3: {  	s10 =	simm.s32 $0x0;
	s21 =	sshll.u32 s8, $0x1;
	s8 =	sadd.s32 s22, s6  }
0xa4: {  	[timem:s10], [sflag:s23] =	dma.local [hbm:s8], s21  }
0xa5: {  	_ =	swait.ge [sflag:s23], s21  }
0xa6: {  	s7 =	ssub.s32 $0x0, s21;
	[sflag:s23] =	ssyncset.done $0x0  }
0xa7: {  	[sflag:s23] =	ssyncadd.s32 s7;
	_ =	sdelay $0x1  }
0xa8: {  	s24 =	simm.s32 $0x1B8B  }
0xa9: {  	_ =	swait.ge [sflag:s24], $0x1  }
0xaa: {  	[sflag:s24] =	ssyncset.done $0x0  }
0xab: {  	s25 =	simm.s32 $0x1B8E;
	[sflag:s24] =	ssyncadd.s32 $0xFFFFFFFF  }
0xac: {  	s26 =	simm.s32 $execute0_lowered;
	[smem:$0x3FD2] =	sst s25  }
0xad: {  	s7 =	sshll.u32 s26, $0x1;
	_ =	strace $0x80000046;
	[dreg:$0x1] =	wrdreg $0xFFFFFFFF  }
0xae: {  	s28 =	simm.s32 $_size_execute0_lowered;
	s6 =	sadd.s32 s6, s7;
	[dreg:$0x0] =	wrdreg $0x0  }
0xaf: {  	s7 =	sshll.u32 s28, $0x1;
	[dreg:$0x2] =	wrdreg s6  }
0xb0: {  	[dreg:$0x3] =	wrdreg s7  }
0xb1: {  	[dreg:$0x4] =	wrdreg $0xC0  }
0xb2: {  	_ =	task [dreg:s10], $0x5FFFF  }
0xb3: {  	[dreg:$0x1] =	wrdreg $0xFFFFFFFF  }
0xb4: {  	[dreg:$0x0] =	wrdreg $0x60  }
0xb5: {  	[dreg:$0x2] =	wrdreg s16  }
0xb6: {  	[dreg:$0x3] =	wrdreg s4  }
0xb7: {  	[dreg:$0x4] =	wrdreg s17  }
0xb8: {  	[dreg:$0x5] =	wrdreg s18  }
0xb9: {  	[dreg:$0x6] =	wrdreg $0x9  }
0xba: {  	_ =	task.clear_ibuf [dreg:s10], $0x7FFFF;
	_ =	strace $0x90000046  }
0xbb: {  	s29 =	simm.s32 $0x9;
	_ =	strace $0x80000048  }
0xbc: {  	_ =	swait.ge [sflag:s29], $0x1  }
0xbd: {  	[sflag:s29] =	ssyncadd.s32 $0xFFFFFFFF  }
0xbe: {  	_ =	strace $0x90000048  }
0xbf: {  	_ =	sfence  }
0xc0: {  	s30 =	sld [smem:$0x0];
	_ =	sdelay $0x2  }
0xc1: {  	s31 =	sshll.u32 s1, $0xD;
	s1 =	sshrl.u32 s1, $0x2  }
0xc2: {  	s3 =	sand.u32 $0x4000, s31;
	s1 =	sadd.s32 s1, s30  }
0xc3: {  	s0 =	sor.u32 s3, s0;
	s1 =	sshll.u32 s1, $0x11  }
0xc4: {  	s0 =	sor.u32 s1, s0  }
0xc5: {  	s0 =	sadd.s32 $0x8F2B, s0  }
0xc6: {  	[sflag:s0] =	ssyncadd.remote.s32 $0x1  }
0xc7: {  	_ =	sfence.sel $0xFFFF  }
0xc8: {  	[dreg:$0x0] =	wrdreg $0xFFFFFFFF;
	(pc) =	sbr.abs _section_cstart, $3  }
0xc9: {  	[dreg:$0x1] =	wrdreg $0xFFFFFFFF  }
0xca: {  	_ =	task.clear_ibuf [dreg:s10], $0x2FFFF;
	_ =	strace $0x9FFFFFFF  }
0xcb: {  	(tm) =	ssettm $0x7FFFFFFF  }
tec
execute0_lowered:
.L_overlay_start_1:
0x0: {  	(tag) =	ssettag $0x1  }
0x1: {  	s4 =	rddreg [dreg:$0x0]  }
0x2: {  	s0 =	srdreg.scid;
	s5 =	stileid.u32  }
0x3: {  	s25 =	rddreg [dreg:$0x1];
	s31 =	sand.u32 $0x1, s0;
	s26 =	sshll.u32 s5, $0x1  }
0x4: {  	s30 =	rddreg [dreg:$0x2];
	s6 =	sor.u32 s31, s26  }
0x5: {  	s9 =	rddreg [dreg:$0x3];
	s2 =	simm.s32 $0x0;
	s0 =	sshll.u32 s6, $0xD  }
0x6: {  	[smem:$0x7FF] =	sst s2;
	s1 =	sshll.u32 s6, $0xA;
	s0 =	sadd.s32 $0xFFFE0000, s0  }
0x7: {  	p0 =	sgt.u32 s5, $0x7;
	s3 =	sadd.s32 s1, s25;
	s0 =	sshrl.u32 s0, $0x3  }
0x8: {  	_ =	strace $0x80000047;
	s3 =	sadd.s32 $0xFC000, s3;
	s4 =	sadd.s32 s4, s0  }
0x9: {  	s7 =	smul.u32 $0x7E00, s6;
	s3 =	smov.u32 @p0 s4;
	s4 =	simm.s32 $0x15000  }
0xa: {  	[tilespmem:s4], [sflag:$0x5] =	stream.linear.gather [hbm4b:s3+s2], $0x2000, $0x38;
	[tilespmem:$0x17000] =	vst v63  }
0xb: {  	s8 =	smul.u32 $0x3F000, s6;
	s6 =	simm.s32 $0x1;
	s5 =	sadd.s32 s25, s7  }
0xc: {  	[tilespmem:s2], [sflag:$0x1] =	stream.linear.gather [hbm4b:s5+s2], $0xA800, $0x38;
	[tilespmem:$0x17000] =	vst v63  }
0xd: {  	_ =	swait.ge [sflag:s6], $0xA800  }
0xe: {  	s26 =	sshrl.u32 s8, $0x3;
	[sflag:s6] =	ssyncset.done $0x0  }
0xf: {  	s7 =	sadd.s32 s30, s7;
	s28 =	sadd.s32 s9, s26;
	[sflag:s6] =	ssyncadd.s32 $0xFFFF5800  }
0x10: {  	[hbm4b:s7+s2] =	stream.linear.scatter [tilespmem:s2], [sflag:$0x3], $0xA800, $0x38;
	[tilespmem:$0x17000] =	vst v63  }
0x11: {  	s12 =	sadd.s32 $0x1500, s26;
	s8 =	sadd.s32 $0x4000, s28  }
0x12: {  	[hbm4b:s8+s2] =	stream.linear.scatter [tilespmem:s2], [sflag:$0x3], $0xA800, $0x38;
	[tilespmem:$0x17000] =	vst v63  }
0x13: {  	s10 =	simm.s32 $0xA800;
	s11 =	simm.s32 $0x2;
	s9 =	sadd.s32 s25, s12  }
0x14: {  	[tilespmem:s10], [sflag:$0x2] =	stream.linear.gather [hbm4b:s9+s2], $0xA800, $0x38;
	[tilespmem:$0x17000] =	vst v63  }
0x15: {  	_ =	swait.ge [sflag:s11], $0xA800  }
0x16: {  	[sflag:s11] =	ssyncset.done $0x0  }
0x17: {  	s12 =	sadd.s32 s30, s12;
	[sflag:s11] =	ssyncadd.s32 $0xFFFF5800  }
0x18: {  	[hbm4b:s12+s2] =	stream.linear.scatter [tilespmem:s10], [sflag:$0x4], $0xA800, $0x38;
	[tilespmem:$0x17000] =	vst v63  }
0x19: {  	s14 =	simm.s32 $0x3;
	s13 =	sadd.s32 $0x5500, s28  }
0x1a: {  	[hbm4b:s13+s2] =	stream.linear.scatter [tilespmem:s10], [sflag:$0x4], $0xA800, $0x38;
	[tilespmem:$0x17000] =	vst v63  }
0x1b: {  	_ =	swait.ge [sflag:s14], $0xA800  }
0x1c: {  	[sflag:s14] =	ssyncset.done $0x0  }
0x1d: {  	[sflag:s14] =	ssyncadd.s32 $0xFFFF5800  }
0x1e: {  	_ =	swait.ge [sflag:s14], $0xA800  }
0x1f: {  	s16 =	sadd.s32 $0x2A00, s26;
	[sflag:s14] =	ssyncset.done $0x0  }
0x20: {  	s15 =	sadd.s32 s25, s16;
	[sflag:s14] =	ssyncadd.s32 $0xFFFF5800  }
0x21: {  	[tilespmem:s2], [sflag:$0x1] =	stream.linear.gather [hbm4b:s15+s2], $0xA800, $0x38;
	[tilespmem:$0x17000] =	vst v63  }
0x22: {  	_ =	swait.ge [sflag:s6], $0xA800  }
0x23: {  	[sflag:s6] =	ssyncset.done $0x0  }
0x24: {  	s16 =	sadd.s32 s30, s16;
	[sflag:s6] =	ssyncadd.s32 $0xFFFF5800  }
0x25: {  	[hbm4b:s16+s2] =	stream.linear.scatter [tilespmem:s2], [sflag:$0x3], $0xA800, $0x38;
	[tilespmem:$0x17000] =	vst v63  }
0x26: {  	s18 =	simm.s32 $0x4;
	s17 =	sadd.s32 $0x6A00, s28  }
0x27: {  	[hbm4b:s17+s2] =	stream.linear.scatter [tilespmem:s2], [sflag:$0x3], $0xA800, $0x38;
	[tilespmem:$0x17000] =	vst v63  }
0x28: {  	_ =	swait.ge [sflag:s18], $0xA800  }
0x29: {  	[sflag:s18] =	ssyncset.done $0x0  }
0x2a: {  	[sflag:s18] =	ssyncadd.s32 $0xFFFF5800  }
0x2b: {  	_ =	swait.ge [sflag:s18], $0xA800  }
0x2c: {  	s20 =	sadd.s32 $0x3F00, s26;
	[sflag:s18] =	ssyncset.done $0x0  }
0x2d: {  	s19 =	sadd.s32 s25, s20;
	[sflag:s18] =	ssyncadd.s32 $0xFFFF5800  }
0x2e: {  	[tilespmem:s10], [sflag:$0x2] =	stream.linear.gather [hbm4b:s19+s2], $0xA800, $0x38;
	[tilespmem:$0x17000] =	vst v63  }
0x2f: {  	_ =	swait.ge [sflag:s11], $0xA800  }
0x30: {  	[sflag:s11] =	ssyncset.done $0x0  }
0x31: {  	s20 =	sadd.s32 s30, s20;
	[sflag:s11] =	ssyncadd.s32 $0xFFFF5800  }
0x32: {  	[hbm4b:s20+s2] =	stream.linear.scatter [tilespmem:s10], [sflag:$0x4], $0xA800, $0x38;
	[tilespmem:$0x17000] =	vst v63  }
0x33: {  	s21 =	sadd.s32 $0x7F00, s28  }
0x34: {  	[hbm4b:s21+s2] =	stream.linear.scatter [tilespmem:s10], [sflag:$0x4], $0xA800, $0x38;
	[tilespmem:$0x17000] =	vst v63  }
0x35: {  	_ =	swait.ge [sflag:s14], $0xA800  }
0x36: {  	[sflag:s14] =	ssyncset.done $0x0  }
0x37: {  	[sflag:s14] =	ssyncadd.s32 $0xFFFF5800  }
0x38: {  	_ =	swait.ge [sflag:s14], $0xA800  }
0x39: {  	s23 =	sadd.s32 $0x5400, s26;
	[sflag:s14] =	ssyncset.done $0x0  }
0x3a: {  	s22 =	sadd.s32 s25, s23;
	[sflag:s14] =	ssyncadd.s32 $0xFFFF5800  }
0x3b: {  	[tilespmem:s2], [sflag:$0x1] =	stream.linear.gather [hbm4b:s22+s2], $0xA800, $0x38;
	[tilespmem:$0x17000] =	vst v63  }
0x3c: {  	_ =	swait.ge [sflag:s6], $0xA800  }
0x3d: {  	[sflag:s6] =	ssyncset.done $0x0  }
0x3e: {  	s23 =	sadd.s32 s30, s23;
	[sflag:s6] =	ssyncadd.s32 $0xFFFF5800  }
0x3f: {  	[hbm4b:s23+s2] =	stream.linear.scatter [tilespmem:s2], [sflag:$0x3], $0xA800, $0x38;
	[tilespmem:$0x17000] =	vst v63  }
0x40: {  	s24 =	sadd.s32 $0x9400, s28  }
0x41: {  	[hbm4b:s24+s2] =	stream.linear.scatter [tilespmem:s2], [sflag:$0x3], $0xA800, $0x38;
	[tilespmem:$0x17000] =	vst v63  }
0x42: {  	_ =	swait.ge [sflag:s18], $0xA800  }
0x43: {  	[sflag:s18] =	ssyncset.done $0x0  }
0x44: {  	[sflag:s18] =	ssyncadd.s32 $0xFFFF5800  }
0x45: {  	_ =	swait.ge [sflag:s18], $0xA800  }
0x46: {  	s26 =	sadd.s32 $0x6900, s26;
	[sflag:s18] =	ssyncset.done $0x0  }
0x47: {  	s25 =	sadd.s32 s25, s26;
	[sflag:s18] =	ssyncadd.s32 $0xFFFF5800  }
0x48: {  	[tilespmem:s10], [sflag:$0x2] =	stream.linear.gather [hbm4b:s25+s2], $0xA800, $0x38;
	[tilespmem:$0x17000] =	vst v63  }
0x49: {  	_ =	swait.ge [sflag:s11], $0xA800  }
0x4a: {  	[sflag:s11] =	ssyncset.done $0x0  }
0x4b: {  	s26 =	sadd.s32 s30, s26;
	[sflag:s11] =	ssyncadd.s32 $0xFFFF5800  }
0x4c: {  	[hbm4b:s26+s2] =	stream.linear.scatter [tilespmem:s10], [sflag:$0x4], $0xA800, $0x38;
	[tilespmem:$0x17000] =	vst v63  }
0x4d: {  	s29 =	simm.s32 $0x5;
	s28 =	sadd.s32 $0xA900, s28  }
0x4e: {  	[hbm4b:s28+s2] =	stream.linear.scatter [tilespmem:s10], [sflag:$0x4], $0xA800, $0x38;
	[tilespmem:$0x17000] =	vst v63  }
0x4f: {  	_ =	swait.ge [sflag:s29], $0x2000  }
0x50: {  	s1 =	sadd.s32 s1, s30;
	s30 =	rddreg [dreg:$0x3]  }
0x51: {  	[sflag:s29] =	ssyncset.done $0x0;
	s0 =	sadd.s32 s30, s0;
	s30 =	sadd.s32 $0xFC000, s1  }
0x52: {  	[sflag:s29] =	ssyncadd.s32 $0xFFFFE000;
	s30 =	smov.u32 @p0 s0  }
0x53: {  	[hbm4b:s30+s2] =	stream.linear.scatter [tilespmem:s4], [sflag:$0x5], $0x2000, $0x38;
	[tilespmem:$0x17000] =	vst v63  }
0x54: {  	_ =	swait.ge [sflag:s14], $0xA800  }
0x55: {  	[sflag:s14] =	ssyncset.done $0x0  }
0x56: {  	[sflag:s14] =	ssyncadd.s32 $0xFFFF5800  }
0x57: {  	_ =	swait.ge [sflag:s14], $0xA800  }
0x58: {  	s0 =	ssub.s32 $0x2, s31;
	[sflag:s14] =	ssyncset.done $0x0  }
0x59: {  	s1 =	sshrl.u32 s0, $0x1;
	[sflag:s14] =	ssyncadd.s32 $0xFFFF5800  }
0x5a: {  	s0 =	ssub.s32 s0, s1;
	_ =	swait.ge [sflag:s18], $0xA800  }
0x5b: {  	s0 =	smax.u32 s0, $0x1;
	[sflag:s18] =	ssyncset.done $0x0  }
0x5c: {  	p0 =	sne.s32 s0, $0x1;
	[sflag:s18] =	ssyncadd.s32 $0xFFFF5800  }
.Ltmp0:
0x5d: {  	_ =	swait.ge [sflag:s18], $0xA800;
	(pc) =	sbr.rel @!p0 .LBB2_2-.Ltmp0, $4  }
0x5e: {  	[sflag:s18] =	ssyncset.done $0x0  }
0x5f: {  	[sflag:s18] =	ssyncadd.s32 $0xFFFF5800  }
0x60: {  	_ =	swait.ge [sflag:s29], $0x2000  }
0x61: {  	s31 =	sadd.s32 $0xFFFFFFFF, s0;
	[sflag:s29] =	ssyncset.done $0x0  }
.LBB2_1:
0x62: {  	p0 =	sne.s32 s31, $0x1;
	s31 =	sadd.s32 $0xFFFFFFFF, s31;
	[sflag:s29] =	ssyncadd.s32 $0xFFFFE000  }
0x63: {  	[tilespmem:s4], [sflag:$0x5] =	stream.linear.gather [hbm4b:s3+s2], $0x2000, $0x38;
	[tilespmem:$0x17000] =	vst v63  }
0x64: {  	_ = 	snop  }
0x65: {  	[tilespmem:s2], [sflag:$0x1] =	stream.linear.gather [hbm4b:s5+s2], $0xA800, $0x38;
	[tilespmem:$0x17000] =	vst v63  }
0x66: {  	_ =	swait.ge [sflag:s6], $0xA800  }
0x67: {  	[sflag:s6] =	ssyncset.done $0x0  }
0x68: {  	[sflag:s6] =	ssyncadd.s32 $0xFFFF5800  }
0x69: {  	[hbm4b:s7+s2] =	stream.linear.scatter [tilespmem:s2], [sflag:$0x3], $0xA800, $0x38;
	[tilespmem:$0x17000] =	vst v63  }
0x6a: {  	_ = 	snop  }
0x6b: {  	[hbm4b:s8+s2] =	stream.linear.scatter [tilespmem:s2], [sflag:$0x3], $0xA800, $0x38;
	[tilespmem:$0x17000] =	vst v63  }
0x6c: {  	_ = 	snop  }
0x6d: {  	[tilespmem:s10], [sflag:$0x2] =	stream.linear.gather [hbm4b:s9+s2], $0xA800, $0x38;
	[tilespmem:$0x17000] =	vst v63  }
0x6e: {  	_ =	swait.ge [sflag:s11], $0xA800  }
0x6f: {  	[sflag:s11] =	ssyncset.done $0x0  }
0x70: {  	[sflag:s11] =	ssyncadd.s32 $0xFFFF5800  }
0x71: {  	[hbm4b:s12+s2] =	stream.linear.scatter [tilespmem:s10], [sflag:$0x4], $0xA800, $0x38;
	[tilespmem:$0x17000] =	vst v63  }
0x72: {  	_ = 	snop  }
0x73: {  	[hbm4b:s13+s2] =	stream.linear.scatter [tilespmem:s10], [sflag:$0x4], $0xA800, $0x38;
	[tilespmem:$0x17000] =	vst v63  }
0x74: {  	_ =	swait.ge [sflag:s14], $0xA800  }
0x75: {  	[sflag:s14] =	ssyncset.done $0x0  }
0x76: {  	[sflag:s14] =	ssyncadd.s32 $0xFFFF5800  }
0x77: {  	_ =	swait.ge [sflag:s14], $0xA800  }
0x78: {  	[sflag:s14] =	ssyncset.done $0x0  }
0x79: {  	[sflag:s14] =	ssyncadd.s32 $0xFFFF5800  }
0x7a: {  	[tilespmem:s2], [sflag:$0x1] =	stream.linear.gather [hbm4b:s15+s2], $0xA800, $0x38;
	[tilespmem:$0x17000] =	vst v63  }
0x7b: {  	_ =	swait.ge [sflag:s6], $0xA800  }
0x7c: {  	[sflag:s6] =	ssyncset.done $0x0  }
0x7d: {  	[sflag:s6] =	ssyncadd.s32 $0xFFFF5800  }
0x7e: {  	[hbm4b:s16+s2] =	stream.linear.scatter [tilespmem:s2], [sflag:$0x3], $0xA800, $0x38;
	[tilespmem:$0x17000] =	vst v63  }
0x7f: {  	_ = 	snop  }
0x80: {  	[hbm4b:s17+s2] =	stream.linear.scatter [tilespmem:s2], [sflag:$0x3], $0xA800, $0x38;
	[tilespmem:$0x17000] =	vst v63  }
0x81: {  	_ =	swait.ge [sflag:s18], $0xA800  }
0x82: {  	[sflag:s18] =	ssyncset.done $0x0  }
0x83: {  	[sflag:s18] =	ssyncadd.s32 $0xFFFF5800  }
0x84: {  	_ =	swait.ge [sflag:s18], $0xA800  }
0x85: {  	[sflag:s18] =	ssyncset.done $0x0  }
0x86: {  	[sflag:s18] =	ssyncadd.s32 $0xFFFF5800  }
0x87: {  	[tilespmem:s10], [sflag:$0x2] =	stream.linear.gather [hbm4b:s19+s2], $0xA800, $0x38;
	[tilespmem:$0x17000] =	vst v63  }
0x88: {  	_ =	swait.ge [sflag:s11], $0xA800  }
0x89: {  	[sflag:s11] =	ssyncset.done $0x0  }
0x8a: {  	[sflag:s11] =	ssyncadd.s32 $0xFFFF5800  }
0x8b: {  	[hbm4b:s20+s2] =	stream.linear.scatter [tilespmem:s10], [sflag:$0x4], $0xA800, $0x38;
	[tilespmem:$0x17000] =	vst v63  }
0x8c: {  	_ = 	snop  }
0x8d: {  	[hbm4b:s21+s2] =	stream.linear.scatter [tilespmem:s10], [sflag:$0x4], $0xA800, $0x38;
	[tilespmem:$0x17000] =	vst v63  }
0x8e: {  	_ =	swait.ge [sflag:s14], $0xA800  }
0x8f: {  	[sflag:s14] =	ssyncset.done $0x0  }
0x90: {  	[sflag:s14] =	ssyncadd.s32 $0xFFFF5800  }
0x91: {  	_ =	swait.ge [sflag:s14], $0xA800  }
0x92: {  	[sflag:s14] =	ssyncset.done $0x0  }
0x93: {  	[sflag:s14] =	ssyncadd.s32 $0xFFFF5800  }
0x94: {  	[tilespmem:s2], [sflag:$0x1] =	stream.linear.gather [hbm4b:s22+s2], $0xA800, $0x38;
	[tilespmem:$0x17000] =	vst v63  }
0x95: {  	_ =	swait.ge [sflag:s6], $0xA800  }
0x96: {  	[sflag:s6] =	ssyncset.done $0x0  }
0x97: {  	[sflag:s6] =	ssyncadd.s32 $0xFFFF5800  }
0x98: {  	[hbm4b:s23+s2] =	stream.linear.scatter [tilespmem:s2], [sflag:$0x3], $0xA800, $0x38;
	[tilespmem:$0x17000] =	vst v63  }
0x99: {  	_ = 	snop  }
0x9a: {  	[hbm4b:s24+s2] =	stream.linear.scatter [tilespmem:s2], [sflag:$0x3], $0xA800, $0x38;
	[tilespmem:$0x17000] =	vst v63  }
0x9b: {  	_ =	swait.ge [sflag:s18], $0xA800  }
0x9c: {  	[sflag:s18] =	ssyncset.done $0x0  }
0x9d: {  	[sflag:s18] =	ssyncadd.s32 $0xFFFF5800  }
0x9e: {  	_ =	swait.ge [sflag:s18], $0xA800  }
0x9f: {  	[sflag:s18] =	ssyncset.done $0x0  }
0xa0: {  	[sflag:s18] =	ssyncadd.s32 $0xFFFF5800  }
0xa1: {  	[tilespmem:s10], [sflag:$0x2] =	stream.linear.gather [hbm4b:s25+s2], $0xA800, $0x38;
	[tilespmem:$0x17000] =	vst v63  }
0xa2: {  	_ =	swait.ge [sflag:s11], $0xA800  }
0xa3: {  	[sflag:s11] =	ssyncset.done $0x0  }
0xa4: {  	[sflag:s11] =	ssyncadd.s32 $0xFFFF5800  }
0xa5: {  	[hbm4b:s26+s2] =	stream.linear.scatter [tilespmem:s10], [sflag:$0x4], $0xA800, $0x38;
	[tilespmem:$0x17000] =	vst v63  }
0xa6: {  	_ = 	snop  }
0xa7: {  	[hbm4b:s28+s2] =	stream.linear.scatter [tilespmem:s10], [sflag:$0x4], $0xA800, $0x38;
	[tilespmem:$0x17000] =	vst v63  }
0xa8: {  	_ =	swait.ge [sflag:s29], $0x2000  }
0xa9: {  	[sflag:s29] =	ssyncset.done $0x0  }
0xaa: {  	[sflag:s29] =	ssyncadd.s32 $0xFFFFE000  }
0xab: {  	[hbm4b:s30+s2] =	stream.linear.scatter [tilespmem:s4], [sflag:$0x5], $0x2000, $0x38;
	[tilespmem:$0x17000] =	vst v63  }
0xac: {  	_ =	swait.ge [sflag:s14], $0xA800  }
0xad: {  	[sflag:s14] =	ssyncset.done $0x0  }
0xae: {  	[sflag:s14] =	ssyncadd.s32 $0xFFFF5800  }
0xaf: {  	_ =	swait.ge [sflag:s14], $0xA800  }
0xb0: {  	[sflag:s14] =	ssyncset.done $0x0  }
0xb1: {  	[sflag:s14] =	ssyncadd.s32 $0xFFFF5800  }
0xb2: {  	_ =	swait.ge [sflag:s18], $0xA800  }
0xb3: {  	[sflag:s18] =	ssyncset.done $0x0  }
0xb4: {  	[sflag:s18] =	ssyncadd.s32 $0xFFFF5800  }
.Ltmp1:
0xb5: {  	_ =	swait.ge [sflag:s18], $0xA800;
	(pc) =	sbr.rel @p0 .LBB2_1-.Ltmp1, $4  }
0xb6: {  	[sflag:s18] =	ssyncset.done $0x0  }
0xb7: {  	[sflag:s18] =	ssyncadd.s32 $0xFFFF5800  }
0xb8: {  	_ =	swait.ge [sflag:s29], $0x2000  }
0xb9: {  	[sflag:s29] =	ssyncset.done $0x0  }
.LBB2_2:
0xba: {  	[sflag:s29] =	ssyncadd.s32 $0xFFFFE000  }
0xbb: {  	_ =	sfence.sel $0x180000  }
0xbc: {  	[bflag:$0x0] =	sbarrier.arrive $0xFFFF  }
0xbd: {  	_ =	strace $0x90000047  }
0xbe: {  	s0 =	stileid.u32;
	[bflag:$0x2] =	sbarrier.arrive $0xFFFF  }
0xbf: {  	p0 =	sne.s32 s0, $0x0;
	s0 =	rddreg [dreg:$0x4]  }
0xc0: {  	s0 =	sadd.s32 @!p0 $0x100000, s0  }
0xc1: {  	[sflag:s0] =	ssyncadd.tile.s32 @!p0 $0x1;
	_ =	shalt  }
.Lfunc_end2:
_tile_overlayer_lowered:
.L_overlay_start_2:
0xc2: {  	(tag) =	ssettag $0x2  }
0xc3: {  	s0 =	rddreg [dreg:$0x0];
	s2 =	stileid.u32  }
0xc4: {  	s1 =	rddreg [dreg:$0x1];
	p0 =	sne.s32 s2, $0x0  }
0xc5: {  	s3 =	rddreg [dreg:$0x2];
	[bflag:$0x3] =	sbarrier.arrive $0xFFFF;
	s2 =	simm.s32 @!p0 $0x1C06  }
0xc6: {  	[timem:s3], [sflag:s2] =	dma.local @!p0 [hbm:s0], s1  }
0xc7: {  	s0 =	simm.s32 @!p0 $0x6  }
0xc8: {  	_ =	swait.ge @!p0 [sflag:s0], s1  }
0xc9: {  	s1 =	ssub.s32 @!p0 $0x0, s1;
	[sflag:s0] =	ssyncset.done @!p0 $0x0  }
0xca: {  	[sflag:s0] =	ssyncadd.s32 @!p0 s1  }
0xcb: {  	[bflag:$0x3] =	sbarrier.arrive $0xFFFF  }
0xcc: {  	_ =	shalt  }

</sc_bundles>
